<compile_context>
chip_gen: v7x
topology: tpu7x:2x2x1
jax: 0.10.2.dev20260603
libtpu: 0.0.44.dev20260713+nightly
codegen_flags: <defaults>
</compile_context>

<pallas_src>
import jax
import jax.numpy as jnp
from jax import lax
from jax.experimental import pallas as pl
from jax.experimental.pallas import tpu as pltpu
from jax.experimental.pallas import tpu_sc as plsc

D = 128
B = 16384
M = 32
NC, NS, L = 2, 16, 16
NW = NC * NS
PER_W = B // NW
CH = 4
NCH = PER_W // CH
SLAB = 1024


def _sc_body(table_hbm, idx_hbm, len_hbm, out_hbm,
             idx_raw, sel_v, rows_v, obuf, slab_sh, gsems):
    cid = lax.axis_index("c")
    sid = lax.axis_index("s")
    wid = sid * NC + cid
    base = wid * PER_W

    pltpu.sync_copy(table_hbm.at[pl.ds(sid * (SLAB // NS), SLAB // NS)],
                    slab_sh.at[pl.ds(sid * (SLAB // NS), SLAB // NS)])
    plsc.subcore_barrier()

    pltpu.sync_copy(idx_hbm.at[pl.ds(base, PER_W)], idx_raw)

    iota = lax.iota(jnp.int32, L)

    def mask_body(e, _):
        iv0 = plsc.load_gather(idx_raw, [jnp.full((L,), e, jnp.int32), iota])
        iv1 = plsc.load_gather(idx_raw,
                               [jnp.full((L,), e, jnp.int32), iota + L])
        row = e // CH
        col = (e % CH) * M
        plsc.store_scatter(sel_v, [jnp.full((L,), row, jnp.int32),
                                   col + iota],
                           jnp.bitwise_and(iv0, SLAB - 1))
        plsc.store_scatter(sel_v, [jnp.full((L,), row, jnp.int32),
                                   col + L + iota],
                           jnp.bitwise_and(iv1, SLAB - 1))
        return 0
    lax.fori_loop(0, PER_W, mask_body, 0, unroll=1)

    def start_gather(c, b):
        pltpu.async_copy(slab_sh.at[sel_v.at[c]], rows_v.at[b], gsems[b])

    def wait_gather(b):
        pltpu.make_async_copy(slab_sh.at[sel_v.at[0]], rows_v.at[b],
                              gsems[b]).wait()

    start_gather(0, 0)

    def pair_body(c2, _):
        c = 2 * c2
        start_gather(c + 1, 1)
        wait_gather(0)
        obuf[0, pl.ds(0, 16)] = rows_v[0, 0, pl.ds(0, 16)]

        @pl.when(c + 2 < NCH)
        def _():
            start_gather(c + 2, 0)
        wait_gather(1)
        obuf[1, pl.ds(0, 16)] = rows_v[1, 0, pl.ds(0, 16)]
        return 0
    lax.fori_loop(0, NCH // 2, pair_body, 0, unroll=1)
    pltpu.sync_copy(obuf, out_hbm.at[pl.ds(base, 8)])


def kernel(node_embeddings, padded_hyperedges, hyperedge_lengths):
    mesh = plsc.VectorSubcoreMesh(core_axis_name="c", subcore_axis_name="s")
    f = pl.kernel(
        _sc_body,
        out_type=jax.ShapeDtypeStruct((B, D), jnp.float32),
        mesh=mesh,
        compiler_params=pltpu.CompilerParams(needs_layout_passes=False),
        scratch_types=[
            pltpu.VMEM((PER_W, M), jnp.int32),
            pltpu.VMEM((NCH, CH * M), jnp.int32),
            pltpu.VMEM((2, CH * M, D), jnp.float32),
            pltpu.VMEM((8, D), jnp.float32),
            pltpu.VMEM_SHARED((SLAB, D), jnp.float32),
            [pltpu.SemaphoreType.DMA, pltpu.SemaphoreType.DMA],
        ],
    )
    return f(node_embeddings, padded_hyperedges, hyperedge_lengths)

# --- scband reference (transcript-rebuilt; emitter-appended) ---
"""Pipeline reference for scband-padded-hyperedge-aggregator-29643864277336 (READ-ONLY COPY).

The authoritative reference and input builder live on the scoring server;
editing this copy changes nothing except your own understanding.
"""

import jax, jax.numpy as jnp
import numpy as np

NUM_NODES = 100000
EMBED_DIM = 128
BATCH = 16384
MAX_SIZE = 32


def setup_inputs(seed: int = 0) -> dict:
    key = jax.random.key(seed)
    k1, k2, k3 = jax.random.split(key, 3)
    node_embeddings = jax.random.normal(k1, (NUM_NODES, EMBED_DIM), dtype=jnp.float32)
    padded_hyperedges = jax.random.randint(k2, (BATCH, MAX_SIZE), 0, NUM_NODES, dtype=jnp.int32)
    # lengths in [1, MAX_SIZE] so no hyperedge is empty (avoids mean over zero elements)
    hyperedge_lengths = jax.random.randint(k3, (BATCH,), 1, MAX_SIZE + 1, dtype=jnp.int32)
    return {
        "node_embeddings": node_embeddings,
        "padded_hyperedges": padded_hyperedges,
        "hyperedge_lengths": hyperedge_lengths,
    }


def reference(node_embeddings, padded_hyperedges, hyperedge_lengths):
    # Vectorized, jit-friendly equivalent of the per-row python loop with
    # aggregation_method='mean': gather valid node embeddings per hyperedge and
    # average over the first `length` positions.
    B, M = padded_hyperedges.shape
    mask = jnp.arange(M, dtype=hyperedge_lengths.dtype)[None, :] < hyperedge_lengths[:, None]  # [B, M]
    safe_idx = jnp.where(mask, padded_hyperedges, 0)
    gathered = jnp.take(node_embeddings, safe_idx, axis=0)  # [B, M, D]
    maskf = mask.astype(node_embeddings.dtype)[..., None]
    summed = jnp.sum(gathered * maskf, axis=1)  # [B, D]
    out = summed / hyperedge_lengths.astype(node_embeddings.dtype)[:, None]
    return out


if False:  # reference __main__ guard neutralized (emitter)
    inp = setup_inputs()
    out = reference(**inp)
    print(out.shape, out.dtype)

if __name__ == "__main__":
    import jax
    _d = setup_inputs()
    print(jax.jit(kernel)(*tuple(_d.values())))

</pallas_src>

<mosaic_0001>
#map = affine_map<(d0, d1) -> (0, 0)>
#map1 = affine_map<(d0, d1) -> (0)>
module attributes {stable_mosaic.version = 14 : i64} {
  func.func @_sc_body(%arg0: i32, %arg1: i32, %arg2: memref<100000x128xf32, #tpu.memory_space<hbm>>, %arg3: memref<16384x32xi32, #tpu.memory_space<hbm>>, %arg4: memref<16384xi32, #tpu.memory_space<hbm>>, %arg5: memref<16384x128xf32, #tpu.memory_space<hbm>>, %arg6: memref<512x32xi32, #tpu.memory_space<vmem>>, %arg7: memref<128x128xi32, #tpu.memory_space<vmem>>, %arg8: memref<2x128x128xf32, #tpu.memory_space<vmem>>, %arg9: memref<8x128xf32, #tpu.memory_space<vmem>>, %arg10: memref<1024x128xf32, #tpu.memory_space<vmem_shared>>, %arg11: memref<!tpu.dma_semaphore, #tpu.memory_space<semaphore_mem>>, %arg12: memref<!tpu.dma_semaphore, #tpu.memory_space<semaphore_mem>>) attributes {dimension_semantics = [#tpu.dimension_semantics<core_parallel>, #tpu.dimension_semantics<subcore_parallel>], iteration_bounds = array<i64: 2, 16>, scalar_prefetch = 0 : i64, scratch_operands = 7 : i64, tpu.core_type = #tpu.core_type<sc_vector_subcore>, window_params = [{transform_indices = #map}, {transform_indices = #map}, {transform_indices = #map1}, {transform_indices = #map}]} {
    %mul3A = arith.constant 2 : i32
    %mul3A_0 = arith.muli %arg1, %mul3A : i32
    %add3A = arith.addi %mul3A_0, %arg0 : i32
    %mul3A_1 = arith.constant 512 : i32
    %mul3A_2 = arith.muli %add3A, %mul3A_1 : i32
    %mul3A_3 = arith.constant 64 : i32
    %mul3A_4 = arith.muli %arg1, %mul3A_3 : i32
    %mul3A_5 = arith.constant 64 : i32
    %mul3A_6 = arith.muli %arg1, %mul3A_5 : i32
    "tpu.region"() ({
      %run_scoped3A = tpu.sem_alloc : memref<!tpu.dma_semaphore, #tpu.memory_space<semaphore_mem>>
      %dma_start3A_31 = arith.constant 0 : i32
      %dma_start3A_32 = tpu.memref_slice %arg10[%mul3A_6, %dma_start3A_31] : memref<1024x128xf32, #tpu.memory_space<vmem_shared>> -> memref<64x128xf32, #tpu.memory_space<vmem_shared>>
      %dma_start3A_33 = arith.constant 0 : i32
      %dma_start3A_34 = tpu.memref_slice %arg2[%mul3A_4, %dma_start3A_33] : memref<100000x128xf32, #tpu.memory_space<hbm>> -> memref<64x128xf32, #tpu.memory_space<hbm>>
      tpu.enqueue_dma source(%dma_start3A_34 : memref<64x128xf32, #tpu.memory_space<hbm>>) target(%dma_start3A_32 : memref<64x128xf32, #tpu.memory_space<vmem_shared>>) target_semaphore(%run_scoped3A : memref<!tpu.dma_semaphore, #tpu.memory_space<semaphore_mem>>)
      %dma_wait3A = arith.constant 0 : i32
      %dma_wait3A_35 = tpu.memref_slice %arg10[%mul3A_6, %dma_wait3A] : memref<1024x128xf32, #tpu.memory_space<vmem_shared>> -> memref<64x128xf32, #tpu.memory_space<vmem_shared>>
      %dma_wait3A_36 = arith.constant 0 : i32
      %dma_wait3A_37 = tpu.memref_slice %arg2[%mul3A_4, %dma_wait3A_36] : memref<100000x128xf32, #tpu.memory_space<hbm>> -> memref<64x128xf32, #tpu.memory_space<hbm>>
      tpu.wait_dma2 semaphore(%run_scoped3A : memref<!tpu.dma_semaphore, #tpu.memory_space<semaphore_mem>>) src(%dma_wait3A_37 : memref<64x128xf32, #tpu.memory_space<hbm>>) dst(%dma_wait3A_35 : memref<64x128xf32, #tpu.memory_space<vmem_shared>>)
      tpu.yield
    }) : () -> ()
    %barrier3A = arith.constant 0 : index
    tpu.barrier barrier_id(%barrier3A)
    "tpu.region"() ({
      %run_scoped3A = tpu.sem_alloc : memref<!tpu.dma_semaphore, #tpu.memory_space<semaphore_mem>>
      %dma_start3A_31 = arith.constant 0 : i32
      %dma_start3A_32 = tpu.memref_slice %arg3[%mul3A_2, %dma_start3A_31] : memref<16384x32xi32, #tpu.memory_space<hbm>> -> memref<512x32xi32, #tpu.memory_space<hbm>>
      %dma_start3A_33 = arith.constant 0 : i32
      %dma_start3A_34 = tpu.memref_slice %arg3[%mul3A_2, %dma_start3A_33] : memref<16384x32xi32, #tpu.memory_space<hbm>> -> memref<512x32xi32, #tpu.memory_space<hbm>>
      tpu.enqueue_dma source(%dma_start3A_34 : memref<512x32xi32, #tpu.memory_space<hbm>>) target(%arg6 : memref<512x32xi32, #tpu.memory_space<vmem>>) target_semaphore(%run_scoped3A : memref<!tpu.dma_semaphore, #tpu.memory_space<semaphore_mem>>)
      %dma_wait3A = arith.constant 0 : i32
      %dma_wait3A_35 = tpu.memref_slice %arg3[%mul3A_2, %dma_wait3A] : memref<16384x32xi32, #tpu.memory_space<hbm>> -> memref<512x32xi32, #tpu.memory_space<hbm>>
      %dma_wait3A_36 = arith.constant 0 : i32
      %dma_wait3A_37 = tpu.memref_slice %arg3[%mul3A_2, %dma_wait3A_36] : memref<16384x32xi32, #tpu.memory_space<hbm>> -> memref<512x32xi32, #tpu.memory_space<hbm>>
      tpu.wait_dma2 semaphore(%run_scoped3A : memref<!tpu.dma_semaphore, #tpu.memory_space<semaphore_mem>>) src(%dma_wait3A_37 : memref<512x32xi32, #tpu.memory_space<hbm>>) dst(%arg6 : memref<512x32xi32, #tpu.memory_space<vmem>>)
      tpu.yield
    }) : () -> ()
    %iota3A = tpu.iota {dimensions = array<i32: 0>} : vector<16xi32>
    %scan3A = arith.constant 0 : i32
    %scan3A_7 = arith.constant 0 : i32
    %scan3A_8 = arith.constant 512 : i32
    %scan3A_9 = arith.addi %scan3A_7, %scan3A_8 : i32
    %scan3A_10 = arith.constant 1 : i32
    %scan3A_11 = scf.for %scan3A_31 = %scan3A_7 to %scan3A_9 step %scan3A_10 iter_args(%scan3A_32 = %scan3A) -> (i32)  : i32 {
      %broadcast_in_dim3A = vector.broadcast %scan3A_31 : i32 to vector<16xi32>
      %gather3A = tpu.vector_load_idx %arg6[%broadcast_in_dim3A, %iota3A] : memref<512x32xi32, #tpu.memory_space<vmem>>[vector<16xi32>, vector<16xi32>], vector<16xi32>,
      %broadcast_in_dim3A_33 = vector.broadcast %scan3A_31 : i32 to vector<16xi32>
      %add3A_34 = arith.constant 16 : i32
      %add3A_35 = vector.broadcast %add3A_34 : i32 to vector<16xi32>
      %add3A_36 = arith.addi %iota3A, %add3A_35 : vector<16xi32>
      %gather3A_37 = tpu.vector_load_idx %arg6[%broadcast_in_dim3A_33, %add3A_36] : memref<512x32xi32, #tpu.memory_space<vmem>>[vector<16xi32>, vector<16xi32>], vector<16xi32>,
      %jit3A = arith.constant 4 : i32
      %div3A = arith.divsi %scan3A_31, %jit3A : i32
      %sign3A = arith.constant 0 : i32
      %sign3A_38 = arith.cmpi sgt, %scan3A_31, %sign3A : i32
      %sign3A_39 = arith.extui %sign3A_38 : i1 to i32
      %sign3A_40 = arith.constant 0 : i32
      %sign3A_41 = arith.cmpi slt, %scan3A_31, %sign3A_40 : i32
      %sign3A_42 = arith.extui %sign3A_41 : i1 to i32
      %sign3A_43 = arith.subi %sign3A_39, %sign3A_42 : i32
      %sign3A_44 = arith.constant 0 : i32
      %sign3A_45 = arith.cmpi sgt, %jit3A, %sign3A_44 : i32
      %sign3A_46 = arith.extui %sign3A_45 : i1 to i32
      %sign3A_47 = arith.constant 0 : i32
      %sign3A_48 = arith.cmpi slt, %jit3A, %sign3A_47 : i32
      %sign3A_49 = arith.extui %sign3A_48 : i1 to i32
      %sign3A_50 = arith.subi %sign3A_46, %sign3A_49 : i32
      %ne3A = arith.cmpi ne, %sign3A_43, %sign3A_50 : i32
      %rem3A = arith.remsi %scan3A_31, %jit3A : i32
      %ne3A_51 = arith.constant 0 : i32
      %ne3A_52 = arith.cmpi ne, %rem3A, %ne3A_51 : i32
      %and3A = arith.andi %ne3A, %ne3A_52 : i1
      %sub3A = arith.constant 1 : i32
      %sub3A_53 = arith.subi %div3A, %sub3A : i32
      %select_n3A = arith.select %and3A, %sub3A_53, %div3A : i32
      %jit3A_54 = arith.constant 4 : i32
      %eq3A = arith.constant 0 : i32
      %eq3A_55 = arith.cmpi eq, %jit3A_54, %eq3A : i32
      %jit3A_56 = arith.constant 1 : i32
      %select_n3A_57 = arith.select %eq3A_55, %jit3A_56, %jit3A_54 : i32
      %rem3A_58 = arith.remsi %scan3A_31, %select_n3A_57 : i32
      %ne3A_59 = arith.constant 0 : i32
      %ne3A_60 = arith.cmpi ne, %rem3A_58, %ne3A_59 : i32
      %lt3A = arith.constant 0 : i32
      %lt3A_61 = arith.cmpi slt, %rem3A_58, %lt3A : i32
      %lt3A_62 = arith.constant 0 : i32
      %lt3A_63 = arith.cmpi slt, %select_n3A_57, %lt3A_62 : i32
      %ne3A_64 = arith.xori %lt3A_61, %lt3A_63 : i1
      %and3A_65 = arith.andi %ne3A_64, %ne3A_60 : i1
      %add3A_66 = arith.addi %rem3A_58, %select_n3A_57 : i32
      %select_n3A_67 = arith.select %and3A_65, %add3A_66, %rem3A_58 : i32
      %mul3A_68 = arith.constant 32 : i32
      %mul3A_69 = arith.muli %select_n3A_67, %mul3A_68 : i32
      %broadcast_in_dim3A_70 = vector.broadcast %select_n3A : i32 to vector<16xi32>
      %add3A_71 = vector.broadcast %mul3A_69 : i32 to vector<16xi32>
      %add3A_72 = arith.addi %add3A_71, %iota3A : vector<16xi32>
      %and3A_73 = arith.constant 1023 : i32
      %and3A_74 = vector.broadcast %and3A_73 : i32 to vector<16xi32>
      %and3A_75 = arith.andi %gather3A, %and3A_74 : vector<16xi32>
      tpu.vector_store_idx %arg7[%broadcast_in_dim3A_70, %add3A_72], %and3A_75 : memref<128x128xi32, #tpu.memory_space<vmem>>[vector<16xi32>, vector<16xi32>], vector<16xi32>,
      %broadcast_in_dim3A_76 = vector.broadcast %select_n3A : i32 to vector<16xi32>
      %add3A_77 = arith.constant 16 : i32
      %add3A_78 = arith.addi %mul3A_69, %add3A_77 : i32
      %add3A_79 = vector.broadcast %add3A_78 : i32 to vector<16xi32>
      %add3A_80 = arith.addi %add3A_79, %iota3A : vector<16xi32>
      %and3A_81 = arith.constant 1023 : i32
      %and3A_82 = vector.broadcast %and3A_81 : i32 to vector<16xi32>
      %and3A_83 = arith.andi %gather3A_37, %and3A_82 : vector<16xi32>
      tpu.vector_store_idx %arg7[%broadcast_in_dim3A_76, %add3A_80], %and3A_83 : memref<128x128xi32, #tpu.memory_space<vmem>>[vector<16xi32>, vector<16xi32>], vector<16xi32>,
      %scan3A_84 = arith.constant 0 : i32
      scf.yield %scan3A_84 : i32
    }
    %scan3A_12 = arith.constant 512 : i32
    %dma_start3A = arith.constant 0 : i32
    %dma_start3A_13 = arith.constant 0 : i32
    %dma_start3A_14 = arith.constant 0 : i32
    %dma_start3A_15 = arith.constant 0 : i32
    %dma_start3A_16 = tpu.memref_slice %arg8[%dma_start3A_13, %dma_start3A_14, %dma_start3A_15] : memref<2x128x128xf32, #tpu.memory_space<vmem>> -> memref<1x128x128xf32, #tpu.memory_space<vmem>>
    %dma_start3A_17 = tpu.memref_squeeze %dma_start3A_16 : memref<1x128x128xf32, #tpu.memory_space<vmem>> -> memref<128x128xf32, #tpu.memory_space<vmem>>
    %dma_start3A_18 = arith.constant 0 : i32
    %dma_start3A_19 = tpu.memref_slice %arg7[%dma_start3A, %dma_start3A_18] : memref<128x128xi32, #tpu.memory_space<vmem>> -> memref<1x128xi32, #tpu.memory_space<vmem>>
    %dma_start3A_20 = tpu.memref_squeeze %dma_start3A_19 : memref<1x128xi32, #tpu.memory_space<vmem>> -> memref<128xi32, #tpu.memory_space<vmem>>
    %dma_start3A_21 = arith.constant 0 : i32
    %dma_start3A_22 = arith.constant 0 : i32
    %dma_start3A_23 = tpu.memref_slice %arg10[%dma_start3A_21, %dma_start3A_22] : memref<1024x128xf32, #tpu.memory_space<vmem_shared>> -> memref<1024x128xf32, #tpu.memory_space<vmem_shared>>
    tpu.enqueue_indirect_dma source(%dma_start3A_23 : memref<1024x128xf32, #tpu.memory_space<vmem_shared>>) target(%dma_start3A_17 : memref<128x128xf32, #tpu.memory_space<vmem>>) offsets(%dma_start3A_20 : memref<128xi32, #tpu.memory_space<vmem>>) semaphore(%arg11 : memref<!tpu.dma_semaphore, #tpu.memory_space<semaphore_mem>>)
    %scan3A_24 = arith.constant 0 : i32
    %scan3A_25 = arith.constant 0 : i32
    %scan3A_26 = arith.constant 64 : i32
    %scan3A_27 = arith.addi %scan3A_25, %scan3A_26 : i32
    %scan3A_28 = arith.constant 1 : i32
    %scan3A_29 = scf.for %scan3A_31 = %scan3A_25 to %scan3A_27 step %scan3A_28 iter_args(%scan3A_32 = %scan3A_24) -> (i32)  : i32 {
      %mul3A_33 = arith.constant 2 : i32
      %mul3A_34 = arith.muli %mul3A_33, %scan3A_31 : i32
      %add3A_35 = arith.constant 1 : i32
      %add3A_36 = arith.addi %mul3A_34, %add3A_35 : i32
      %dma_start3A_37 = arith.constant 1 : i32
      %dma_start3A_38 = arith.constant 0 : i32
      %dma_start3A_39 = arith.constant 0 : i32
      %dma_start3A_40 = tpu.memref_slice %arg8[%dma_start3A_37, %dma_start3A_38, %dma_start3A_39] : memref<2x128x128xf32, #tpu.memory_space<vmem>> -> memref<1x128x128xf32, #tpu.memory_space<vmem>>
      %dma_start3A_41 = tpu.memref_squeeze %dma_start3A_40 : memref<1x128x128xf32, #tpu.memory_space<vmem>> -> memref<128x128xf32, #tpu.memory_space<vmem>>
      %dma_start3A_42 = arith.constant 0 : i32
      %dma_start3A_43 = tpu.memref_slice %arg7[%add3A_36, %dma_start3A_42] : memref<128x128xi32, #tpu.memory_space<vmem>> -> memref<1x128xi32, #tpu.memory_space<vmem>>
      %dma_start3A_44 = tpu.memref_squeeze %dma_start3A_43 : memref<1x128xi32, #tpu.memory_space<vmem>> -> memref<128xi32, #tpu.memory_space<vmem>>
      %dma_start3A_45 = arith.constant 0 : i32
      %dma_start3A_46 = arith.constant 0 : i32
      %dma_start3A_47 = tpu.memref_slice %arg10[%dma_start3A_45, %dma_start3A_46] : memref<1024x128xf32, #tpu.memory_space<vmem_shared>> -> memref<1024x128xf32, #tpu.memory_space<vmem_shared>>
      tpu.enqueue_indirect_dma source(%dma_start3A_47 : memref<1024x128xf32, #tpu.memory_space<vmem_shared>>) target(%dma_start3A_41 : memref<128x128xf32, #tpu.memory_space<vmem>>) offsets(%dma_start3A_44 : memref<128xi32, #tpu.memory_space<vmem>>) semaphore(%arg12 : memref<!tpu.dma_semaphore, #tpu.memory_space<semaphore_mem>>)
      %dma_wait3A = arith.constant 0 : i32
      %dma_wait3A_48 = arith.constant 0 : i32
      %dma_wait3A_49 = arith.constant 0 : i32
      %dma_wait3A_50 = arith.constant 0 : i32
      %dma_wait3A_51 = tpu.memref_slice %arg8[%dma_wait3A_48, %dma_wait3A_49, %dma_wait3A_50] : memref<2x128x128xf32, #tpu.memory_space<vmem>> -> memref<1x128x128xf32, #tpu.memory_space<vmem>>
      %dma_wait3A_52 = tpu.memref_squeeze %dma_wait3A_51 : memref<1x128x128xf32, #tpu.memory_space<vmem>> -> memref<128x128xf32, #tpu.memory_space<vmem>>
      %dma_wait3A_53 = arith.constant 0 : i32
      %dma_wait3A_54 = tpu.memref_slice %arg7[%dma_wait3A, %dma_wait3A_53] : memref<128x128xi32, #tpu.memory_space<vmem>> -> memref<1x128xi32, #tpu.memory_space<vmem>>
      %dma_wait3A_55 = tpu.memref_squeeze %dma_wait3A_54 : memref<1x128xi32, #tpu.memory_space<vmem>> -> memref<128xi32, #tpu.memory_space<vmem>>
      %dma_wait3A_56 = arith.constant 0 : i32
      %dma_wait3A_57 = arith.constant 0 : i32
      %dma_wait3A_58 = tpu.memref_slice %arg10[%dma_wait3A_56, %dma_wait3A_57] : memref<1024x128xf32, #tpu.memory_space<vmem_shared>> -> memref<1024x128xf32, #tpu.memory_space<vmem_shared>>
      tpu.wait_indirect_dma semaphore(%arg11 : memref<!tpu.dma_semaphore, #tpu.memory_space<semaphore_mem>>) src(%dma_wait3A_58 : memref<1024x128xf32, #tpu.memory_space<vmem_shared>>) dst(%dma_wait3A_52 : memref<128x128xf32, #tpu.memory_space<vmem>>)
      %get3A = arith.constant 0 : i32
      %get3A_59 = arith.constant 0 : i32
      %get3A_60 = arith.index_cast %get3A : i32 to index
      %get3A_61 = arith.index_cast %get3A_59 : i32 to index
      %get3A_62 = arith.constant 0 : index
      %get3A_63 = tpu.vector_load %arg8[%get3A_60, %get3A_61, %get3A_62] {strides = array<i32>} : memref<2x128x128xf32, #tpu.memory_space<vmem>>, vector<16xf32>,
      %swap3A = arith.constant 0 : i32
      %swap3A_64 = arith.index_cast %swap3A : i32 to index
      %swap3A_65 = arith.constant 0 : index
      %swap3A_66 = tpu.vector_load %arg9[%swap3A_64, %swap3A_65] {strides = array<i32>} : memref<8x128xf32, #tpu.memory_space<vmem>>, vector<16xf32>,
      tpu.vector_store %arg9[%swap3A_64, %swap3A_65], %get3A_63 {strides = array<i32>} : memref<8x128xf32, #tpu.memory_space<vmem>>, vector<16xf32>,
      %add3A_67 = arith.constant 2 : i32
      %add3A_68 = arith.addi %mul3A_34, %add3A_67 : i32
      %lt3A = arith.constant 128 : i32
      %lt3A_69 = arith.cmpi slt, %add3A_68, %lt3A : i32
      %convert_element_type3A = arith.extui %lt3A_69 : i1 to i32
      %cond3A = arith.constant 0 : i32
      %cond3A_70 = arith.cmpi ne, %convert_element_type3A, %cond3A : i32
      scf.if %cond3A_70 {
        %add3A_94 = arith.constant 2 : i32
        %add3A_95 = arith.addi %mul3A_34, %add3A_94 : i32
        %dma_start3A_96 = arith.constant 0 : i32
        %dma_start3A_97 = arith.constant 0 : i32
        %dma_start3A_98 = arith.constant 0 : i32
        %dma_start3A_99 = tpu.memref_slice %arg8[%dma_start3A_96, %dma_start3A_97, %dma_start3A_98] : memref<2x128x128xf32, #tpu.memory_space<vmem>> -> memref<1x128x128xf32, #tpu.memory_space<vmem>>
        %dma_start3A_100 = tpu.memref_squeeze %dma_start3A_99 : memref<1x128x128xf32, #tpu.memory_space<vmem>> -> memref<128x128xf32, #tpu.memory_space<vmem>>
        %dma_start3A_101 = arith.constant 0 : i32
        %dma_start3A_102 = tpu.memref_slice %arg7[%add3A_95, %dma_start3A_101] : memref<128x128xi32, #tpu.memory_space<vmem>> -> memref<1x128xi32, #tpu.memory_space<vmem>>
        %dma_start3A_103 = tpu.memref_squeeze %dma_start3A_102 : memref<1x128xi32, #tpu.memory_space<vmem>> -> memref<128xi32, #tpu.memory_space<vmem>>
        %dma_start3A_104 = arith.constant 0 : i32
        %dma_start3A_105 = arith.constant 0 : i32
        %dma_start3A_106 = tpu.memref_slice %arg10[%dma_start3A_104, %dma_start3A_105] : memref<1024x128xf32, #tpu.memory_space<vmem_shared>> -> memref<1024x128xf32, #tpu.memory_space<vmem_shared>>
        tpu.enqueue_indirect_dma source(%dma_start3A_106 : memref<1024x128xf32, #tpu.memory_space<vmem_shared>>) target(%dma_start3A_100 : memref<128x128xf32, #tpu.memory_space<vmem>>) offsets(%dma_start3A_103 : memref<128xi32, #tpu.memory_space<vmem>>) semaphore(%arg11 : memref<!tpu.dma_semaphore, #tpu.memory_space<semaphore_mem>>)
      } else {
      }
      %dma_wait3A_71 = arith.constant 0 : i32
      %dma_wait3A_72 = arith.constant 1 : i32
      %dma_wait3A_73 = arith.constant 0 : i32
      %dma_wait3A_74 = arith.constant 0 : i32
      %dma_wait3A_75 = tpu.memref_slice %arg8[%dma_wait3A_72, %dma_wait3A_73, %dma_wait3A_74] : memref<2x128x128xf32, #tpu.memory_space<vmem>> -> memref<1x128x128xf32, #tpu.memory_space<vmem>>
      %dma_wait3A_76 = tpu.memref_squeeze %dma_wait3A_75 : memref<1x128x128xf32, #tpu.memory_space<vmem>> -> memref<128x128xf32, #tpu.memory_space<vmem>>
      %dma_wait3A_77 = arith.constant 0 : i32
      %dma_wait3A_78 = tpu.memref_slice %arg7[%dma_wait3A_71, %dma_wait3A_77] : memref<128x128xi32, #tpu.memory_space<vmem>> -> memref<1x128xi32, #tpu.memory_space<vmem>>
      %dma_wait3A_79 = tpu.memref_squeeze %dma_wait3A_78 : memref<1x128xi32, #tpu.memory_space<vmem>> -> memref<128xi32, #tpu.memory_space<vmem>>
      %dma_wait3A_80 = arith.constant 0 : i32
      %dma_wait3A_81 = arith.constant 0 : i32
      %dma_wait3A_82 = tpu.memref_slice %arg10[%dma_wait3A_80, %dma_wait3A_81] : memref<1024x128xf32, #tpu.memory_space<vmem_shared>> -> memref<1024x128xf32, #tpu.memory_space<vmem_shared>>
      tpu.wait_indirect_dma semaphore(%arg12 : memref<!tpu.dma_semaphore, #tpu.memory_space<semaphore_mem>>) src(%dma_wait3A_82 : memref<1024x128xf32, #tpu.memory_space<vmem_shared>>) dst(%dma_wait3A_76 : memref<128x128xf32, #tpu.memory_space<vmem>>)
      %get3A_83 = arith.constant 1 : i32
      %get3A_84 = arith.constant 0 : i32
      %get3A_85 = arith.index_cast %get3A_83 : i32 to index
      %get3A_86 = arith.index_cast %get3A_84 : i32 to index
      %get3A_87 = arith.constant 0 : index
      %get3A_88 = tpu.vector_load %arg8[%get3A_85, %get3A_86, %get3A_87] {strides = array<i32>} : memref<2x128x128xf32, #tpu.memory_space<vmem>>, vector<16xf32>,
      %swap3A_89 = arith.constant 1 : i32
      %swap3A_90 = arith.index_cast %swap3A_89 : i32 to index
      %swap3A_91 = arith.constant 0 : index
      %swap3A_92 = tpu.vector_load %arg9[%swap3A_90, %swap3A_91] {strides = array<i32>} : memref<8x128xf32, #tpu.memory_space<vmem>>, vector<16xf32>,
      tpu.vector_store %arg9[%swap3A_90, %swap3A_91], %get3A_88 {strides = array<i32>} : memref<8x128xf32, #tpu.memory_space<vmem>>, vector<16xf32>,
      %scan3A_93 = arith.constant 0 : i32
      scf.yield %scan3A_93 : i32
    }
    %scan3A_30 = arith.constant 64 : i32
    "tpu.region"() ({
      %run_scoped3A = tpu.sem_alloc : memref<!tpu.dma_semaphore, #tpu.memory_space<semaphore_mem>>
      %dma_start3A_31 = arith.constant 0 : i32
      %dma_start3A_32 = tpu.memref_slice %arg5[%mul3A_2, %dma_start3A_31] : memref<16384x128xf32, #tpu.memory_space<hbm>> -> memref<8x128xf32, #tpu.memory_space<hbm>>
      %dma_start3A_33 = arith.constant 0 : i32
      %dma_start3A_34 = tpu.memref_slice %arg5[%mul3A_2, %dma_start3A_33] : memref<16384x128xf32, #tpu.memory_space<hbm>> -> memref<8x128xf32, #tpu.memory_space<hbm>>
      tpu.enqueue_dma source(%arg9 : memref<8x128xf32, #tpu.memory_space<vmem>>) target(%dma_start3A_34 : memref<8x128xf32, #tpu.memory_space<hbm>>) target_semaphore(%run_scoped3A : memref<!tpu.dma_semaphore, #tpu.memory_space<semaphore_mem>>)
      %dma_wait3A = arith.constant 0 : i32
      %dma_wait3A_35 = tpu.memref_slice %arg5[%mul3A_2, %dma_wait3A] : memref<16384x128xf32, #tpu.memory_space<hbm>> -> memref<8x128xf32, #tpu.memory_space<hbm>>
      %dma_wait3A_36 = arith.constant 0 : i32
      %dma_wait3A_37 = tpu.memref_slice %arg5[%mul3A_2, %dma_wait3A_36] : memref<16384x128xf32, #tpu.memory_space<hbm>> -> memref<8x128xf32, #tpu.memory_space<hbm>>
      tpu.wait_dma2 semaphore(%run_scoped3A : memref<!tpu.dma_semaphore, #tpu.memory_space<semaphore_mem>>) src(%arg9 : memref<8x128xf32, #tpu.memory_space<vmem>>) dst(%dma_wait3A_37 : memref<8x128xf32, #tpu.memory_space<hbm>>)
      tpu.yield
    }) : () -> ()
    return
  }
}

</mosaic_0001>

<sc_bundles>
// kernel: kernel.3.cloned.1.call-start
scs
__scs_entry_jumppad:
0x0: {  	(pc) =	sbr.rel $0x88, $3  }
0x1: {  	(tag) =	ssettag $0x0;
	lr =	simm.s32 $0x1  }
0x2: {  	[smem:$0x3F9E] =	sst lr;
	_ =	strace $0xD0000000  }
0x3: {  	_ = 	snop  }
0x4: {  	_ = 	snop  }
0x5: {  	_ = 	snop  }
0x6: {  	_ = 	snop  }
0x7: {  	_ = 	snop  }
__scs_overlays_trampoline_lowered:
0x8: {  	[smem:$0x3FAD] =	sst s0  }
0x9: {  	[smem:$0x3FAE] =	sst s1  }
0xa: {  	[smem:$0x3FAF] =	sst s2  }
0xb: {  	[smem:$0x3FB0] =	sst s3  }
0xc: {  	[smem:$0x3FB1] =	sst s4  }
0xd: {  	[smem:$0x3FB2] =	sst s5  }
0xe: {  	[smem:$0x3FB3] =	sst s6  }
0xf: {  	[smem:$0x3FB4] =	sst s7  }
0x10: {  	[smem:$0x3FB5] =	sst s8  }
0x11: {  	[smem:$0x3FB6] =	sst s9;
	s0 =	simm.s32 @!p0 $0x0  }
0x12: {  	s1 =	sld [smem:$0x3F9C];
	s0 =	simm.s32 @p0 $0x1  }
0x13: {  	[smem:$0x3FB7] =	sst s0;
	s0 =	simm.s32 @!p1 $0x0  }
0x14: {  	s2 =	sld [smem:$0x3F9B];
	s0 =	simm.s32 @p1 $0x1  }
0x15: {  	[smem:$0x3FB8] =	sst s0;
	s0 =	simm.s32 @!p2 $0x0  }
0x16: {  	s3 =	sld [smem:$0x3FDB];
	s0 =	simm.s32 @p2 $0x1  }
0x17: {  	s4 =	simm.s32 $0x1BF5;
	[smem:$0x3FBA] =	sst s0  }
0x18: {  	s0 =	sld [smem:$0x3F9D];
	_ =	swait.ge [sflag:s4], $0x0  }
0x19: {  	s7 =	sld [smem:$0x3F9E]  }
0x1a: {  	s8 =	sadd.s32 $0xFFFFE003, lr  }
0x1b: {  	s9 =	sadd.s32 $0xFFFFFEF7, lr;
	s5 =	simm.s32 $0xFFFFFFFF;
	p2 =	slt.u32 s8, $0xFFFFF086  }
0x1c: {  	p1 =	slt.u32 s9, $0xF7A;
	s5 =	simm.s32 @!p2 $0x0  }
0x1d: {  	s5 =	simm.s32 @p1 $0x1;
	p0 =	seq.s32 s7, s2  }
0x1e: {  	s7 =	smul.u32 @!p0 $0xF7A, s2;
	p2 =	seq.s32 @!p0 s5, $0x0  }
0x1f: {  	s9 =	smul.u32 $0xF7A, s1;
	s8 =	simm.s32 @!p0 $0x1BF5;
	p2 =	por !p2, p0  }
0x20: {  	[sflag:s8] =	ssyncset.s32 @!p0 $0xFFFFF086;
	s6 =	sadd.s32 @!p0 s3, s7;
	s7 =	simm.s32 @!p0 $0x108  }
0x21: {  	s3 =	sadd.s32 s3, s9;
	s6 =	sadd.s32 @!p0 $0x88, s6;
	s7 =	simm.s32 @p2 $0x1082  }
0x22: {  	[simem:s7], [sflag:s8] =	dma.local @!p0 [hbm:s6], $0xF7A  }
0x23: {  	s9 =	sor.u32 $0xD0000000, s2;
	s6 =	simm.s32 $0x108;
	_ =	swait.ge @!p0 [sflag:s8], $0x0  }
0x24: {  	s3 =	sadd.s32 $0x88, s3;
	s6 =	simm.s32 @!p1 $0x1082;
	[sflag:s4] =	ssyncset.s32 $0xFFFFF086  }
0x25: {  	[simem:s6], [sflag:s4] =	dma.local [hbm:s3], $0xF7A  }
0x26: {  	[smem:$0x3F9E] =	sst s1;
	(tag) =	ssettag s2;
	_ =	strace s9  }
0x27: {  	s1 =	sld [smem:$0x3FAE]  }
0x28: {  	s2 =	sld [smem:$0x3FAF]  }
0x29: {  	s4 =	sld [smem:$0x3FB1]  }
0x2a: {  	p0 =	seq.s32 s5, $0x0;
	s5 =	sld [smem:$0x3FB2]  }
0x2b: {  	s6 =	sld [smem:$0x3FB3]  }
0x2c: {  	s7 =	sld [smem:$0x3FB4]  }
0x2d: {  	s3 =	simm.s32 $0x108;
	s8 =	sld [smem:$0x3FB5]  }
0x2e: {  	s3 =	simm.s32 @!p0 $0x1082;
	s9 =	sld [smem:$0x3FB6]  }
0x2f: {  	lr =	sadd.s32 s0, s3;
	s0 =	sld [smem:$0x3FAD]  }
0x30: {  	s3 =	sld [smem:$0x3FB0]  }
0x31: {  	[smem:$0x3FB9] =	sst s10  }
0x32: {  	s10 =	sld [smem:$0x3FB7];
	_ =	sdelay $0x3  }
0x33: {  	p0 =	seq.s32 s10, $0x1;
	s10 =	sld [smem:$0x3FB9];
	_ =	sdelay $0x3  }
0x34: {  	[smem:$0x3FB9] =	sst s10  }
0x35: {  	s10 =	sld [smem:$0x3FB8];
	_ =	sdelay $0x3  }
0x36: {  	p1 =	seq.s32 s10, $0x1;
	s10 =	sld [smem:$0x3FB9];
	_ =	sdelay $0x3  }
0x37: {  	[smem:$0x3FB9] =	sst s10  }
0x38: {  	s10 =	sld [smem:$0x3FBA]  }
0x39: {  	_ = 	snop;
	(pc) =	sbr.ind lr, $3  }
0x3a: {  	_ = 	snop  }
0x3b: {  	_ = 	snop  }
0x3c: {  	p2 =	seq.s32 s10, $0x1;
	s10 =	sld [smem:$0x3FB9]  }
0x3d: {  	_ =	shalt  }
0x3e: {  	_ =	shalt  }
0x3f: {  	_ =	shalt  }
0x40: {  	_ =	shalt  }
0x41: {  	_ =	shalt  }
0x42: {  	_ =	shalt  }
0x43: {  	_ =	shalt  }
0x44: {  	_ =	shalt  }
0x45: {  	_ =	shalt  }
0x46: {  	_ =	shalt  }
0x47: {  	_ =	shalt  }
0x48: {  	_ =	shalt  }
0x49: {  	_ =	shalt  }
0x4a: {  	_ =	shalt  }
0x4b: {  	_ =	shalt  }
0x4c: {  	_ =	shalt  }
0x4d: {  	_ =	shalt  }
0x4e: {  	_ =	shalt  }
0x4f: {  	_ =	shalt  }
0x50: {  	_ =	shalt  }
0x51: {  	_ =	shalt  }
0x52: {  	_ =	shalt  }
0x53: {  	_ =	shalt  }
0x54: {  	_ =	shalt  }
0x55: {  	_ =	shalt  }
0x56: {  	_ =	shalt  }
0x57: {  	_ =	shalt  }
0x58: {  	_ =	shalt  }
0x59: {  	_ =	shalt  }
0x5a: {  	_ =	shalt  }
0x5b: {  	_ =	shalt  }
0x5c: {  	_ =	shalt  }
0x5d: {  	_ =	shalt  }
0x5e: {  	_ =	shalt  }
0x5f: {  	_ =	shalt  }
0x60: {  	_ =	shalt  }
0x61: {  	_ =	shalt  }
0x62: {  	_ =	shalt  }
0x63: {  	_ =	shalt  }
0x64: {  	_ =	shalt  }
0x65: {  	_ =	shalt  }
0x66: {  	_ =	shalt  }
0x67: {  	_ =	shalt  }
0x68: {  	_ =	shalt  }
0x69: {  	_ =	shalt  }
0x6a: {  	_ =	shalt  }
0x6b: {  	_ =	shalt  }
0x6c: {  	_ =	shalt  }
0x6d: {  	_ =	shalt  }
0x6e: {  	_ =	shalt  }
0x6f: {  	_ =	shalt  }
0x70: {  	_ =	shalt  }
0x71: {  	_ =	shalt  }
0x72: {  	_ =	shalt  }
0x73: {  	_ =	shalt  }
0x74: {  	_ =	shalt  }
0x75: {  	_ =	shalt  }
0x76: {  	_ =	shalt  }
0x77: {  	_ =	shalt  }
0x78: {  	_ =	shalt  }
0x79: {  	_ =	shalt  }
0x7a: {  	_ =	shalt  }
0x7b: {  	_ =	shalt  }
0x7c: {  	_ =	shalt  }
0x7d: {  	_ =	shalt  }
0x7e: {  	_ =	shalt  }
0x7f: {  	_ =	shalt  }
0x80: {  	_ =	shalt  }
0x81: {  	_ =	shalt  }
0x82: {  	_ =	shalt  }
0x83: {  	_ =	shalt  }
0x84: {  	_ =	shalt  }
0x85: {  	_ =	shalt  }
0x86: {  	_ =	shalt  }
0x87: {  	_ =	shalt  }
.Lfunc_end0:
.L_simem_size_0:
called_computation_lowered:
.L_overlay_start_0:
0x88: {  	s2 =	sld [smem:$0x3FD9]  }
0x89: {  	s3 =	sld [smem:$0x3FFE];
	_ =	sdelay $0x1  }
0x8a: {  	s1 =	srdreg.scid  }
0x8b: {  	s0 =	sand.u32 $0x1, s1  }
0x8c: {  	s17 =	sshll.u32 s0, $0xA;
	s2 =	sadd.s32 s3, s2  }
0x8d: {  	s2 =	sadd.s32 s2, s17  }
0x8e: {  	[smem:$0x3FC5] =	sst s2  }
0x8f: {  	_ = 	snop  }
0x90: {  	s2 =	sld [smem:$0x3FC9]  }
0x91: {  	s18 =	sld [smem:$0x3FD0];
	(tm) =	ssettm $0x1  }
0x92: {  	s4 =	sld [smem:$0x3FFB];
	_ =	sdelay $0x3  }
0x93: {  	_ =	strace s4  }
0x94: {  	s4 =	sld [smem:$0x3FFC];
	_ =	sdelay $0x3  }
0x95: {  	_ =	strace s4  }
0x96: {  	s4 =	sld [smem:$0x3FFD];
	_ =	sdelay $0x3  }
0x97: {  	_ =	strace s4  }
0x98: {  	_ =	strace $0x8FFFFFFF  }
0x99: {  	s19 =	sld [smem:$0x3FDB];
	_ =	sdelay $0x1  }
0x9a: {  	s5 =	simm.s32 $_scs_section_size  }
0x9b: {  	s6 =	simm.s32 $_size__tile_overlayer_lowered;
	s7 =	simm.s32 $_tile_overlayer_lowered  }
0x9c: {  	s22 =	simm.s32 $0x1BFF;
	s21 =	sshll.u32 s7, $0x1;
	s4 =	sadd.s32 s5, s19  }
0x9d: {  	s8 =	simm.s32 $0x0;
	s20 =	sshll.u32 s6, $0x1;
	s6 =	sadd.s32 s21, s4  }
0x9e: {  	[timem:s8], [sflag:s22] =	dma.local [hbm:s6], s20  }
0x9f: {  	_ =	swait.ge [sflag:s22], s20  }
0xa0: {  	s5 =	ssub.s32 $0x0, s20;
	[sflag:s22] =	ssyncset.done $0x0  }
0xa1: {  	[sflag:s22] =	ssyncadd.s32 s5;
	_ =	sdelay $0x1  }
0xa2: {  	s23 =	simm.s32 $0x1B8B  }
0xa3: {  	_ =	swait.ge [sflag:s23], $0x1  }
0xa4: {  	[sflag:s23] =	ssyncset.done $0x0  }
0xa5: {  	s25 =	simm.s32 $0x1B8E;
	s24 =	sld [smem:$0x3FFE];
	[sflag:s23] =	ssyncadd.s32 $0xFFFFFFFF  }
0xa6: {  	s26 =	simm.s32 $execute0_lowered;
	[smem:$0x3FD2] =	sst s25  }
0xa7: {  	s6 =	sshll.u32 s26, $0x1;
	_ =	strace $0x80000046;
	[dreg:$0x1] =	wrdreg $0xFFFFFFFF  }
0xa8: {  	s28 =	simm.s32 $_size_execute0_lowered;
	s4 =	sadd.s32 s4, s6;
	[dreg:$0x0] =	wrdreg $0x0  }
0xa9: {  	s6 =	sshll.u32 s28, $0x1;
	[dreg:$0x2] =	wrdreg s4  }
0xaa: {  	[dreg:$0x3] =	wrdreg s6  }
0xab: {  	[dreg:$0x4] =	wrdreg $0xC0  }
0xac: {  	_ =	task [dreg:s8], $0x5FFFF  }
0xad: {  	[dreg:$0x1] =	wrdreg $0xFFFFFFFF  }
0xae: {  	[dreg:$0x0] =	wrdreg $0x60  }
0xaf: {  	[dreg:$0x2] =	wrdreg s2  }
0xb0: {  	[dreg:$0x3] =	wrdreg s24  }
0xb1: {  	[dreg:$0x4] =	wrdreg s18  }
0xb2: {  	[dreg:$0x5] =	wrdreg $0x1C4000  }
0xb3: {  	[dreg:$0x6] =	wrdreg $0x9  }
0xb4: {  	_ =	task.clear_ibuf [dreg:s8], $0x7FFFF;
	_ =	strace $0x90000046  }
0xb5: {  	s29 =	simm.s32 $0x9;
	_ =	strace $0x80000048  }
0xb6: {  	_ =	swait.ge [sflag:s29], $0x1  }
0xb7: {  	[sflag:s29] =	ssyncadd.s32 $0xFFFFFFFF  }
0xb8: {  	_ =	strace $0x90000048  }
0xb9: {  	_ =	sfence  }
0xba: {  	s30 =	sld [smem:$0x0];
	_ =	sdelay $0x2  }
0xbb: {  	s31 =	sshll.u32 s1, $0xD;
	s1 =	sshrl.u32 s1, $0x2  }
0xbc: {  	s3 =	sand.u32 $0x4000, s31;
	s1 =	sadd.s32 s1, s30  }
0xbd: {  	s0 =	sor.u32 s3, s0;
	s1 =	sshll.u32 s1, $0x11  }
0xbe: {  	s0 =	sor.u32 s1, s0  }
0xbf: {  	s0 =	sadd.s32 $0x8F2B, s0  }
0xc0: {  	[sflag:s0] =	ssyncadd.remote.s32 $0x1  }
0xc1: {  	_ =	sfence.sel $0xFFFF  }
0xc2: {  	[dreg:$0x0] =	wrdreg $0xFFFFFFFF;
	(pc) =	sbr.abs _section_cstart, $3  }
0xc3: {  	[dreg:$0x1] =	wrdreg $0xFFFFFFFF  }
0xc4: {  	_ =	task.clear_ibuf [dreg:s8], $0x2FFFF;
	_ =	strace $0x9FFFFFFF  }
0xc5: {  	(tm) =	ssettm $0x7FFFFFFF  }
tec
execute0_lowered:
.L_overlay_start_1:
0x0: {  	(tag) =	ssettag $0x1  }
0x1: {  	s4 =	rddreg [dreg:$0x0]  }
0x2: {  	s5 =	rddreg [dreg:$0x1]  }
0x3: {  	s7 =	rddreg [dreg:$0x2]  }
0x4: {  	s2 =	rddreg [dreg:$0x3];
	s3 =	srdreg.scid  }
0x5: {  	s0 =	rddreg [dreg:$0x4];
	s1 =	stileid.u32;
	s12 =	simm.s32 $0x80  }
0x6: {  	s13 =	simm.s32 $0x14000;
	s14 =	simm.s32 $0x18000;
	s15 =	simm.s32 $0x1  }
0x7: {  	s16 =	simm.s32 $0x2;
	s17 =	simm.s32 $0x13F80;
	s18 =	simm.s32 $0x1C000  }
0x8: {  	s19 =	simm.s32 $0x0;
	s6 =	sand.u32 $0x1, s3;
	s3 =	simm.s32 $0x0  }
0x9: {  	s8 =	sshll.u32 s1, $0xE;
	s29 =	sshll.u32 s1, $0xD;
	s30 =	sshll.u32 s1, $0xA  }
0xa: {  	s31 =	sshll.u32 s1, $0x6;
	s9 =	sshll.u32 s6, $0xD;
	[smem:$0x7FF] =	sst s3  }
0xb: {  	s6 =	ssub.s32 $0x2, s6;
	s11 =	sadd.s32 s29, s2;
	s4 =	sadd.s32 s4, s30  }
0xc: {  	s8 =	sor.u32 s9, s8;
	_ =	strace $0x80000047;
	s28 =	sshrl.u32 s6, $0x1  }
0xd: {  	s9 =	sadd.s32 s8, s5;
	s10 =	ssub.s32 s6, s28;
	s5 =	sor.u32 $0x1C03, s31  }
0xe: {  	v0 =	vlaneseq.u32;
	s7 =	sadd.s32 s7, s8;
	s6 =	sadd.s32 $0x400, s9;
	s8 =	smax.u32 s10, $0x1  }
0xf: {  	v1 =	vor.u32 $0x10, v0;
	s9 =	sshrl.u32 s11, $0x3;
	s10 =	simm.s32 $0x3;
	s11 =	simm.s32 $0x10000  }
.LBB2_1:
0x10: {  	[spmem:s9], [sflag:s5] =	dma.local [hbm:s4], $0x400  }
0x11: {  	_ =	swait.ge [sflag:s10], $0x400  }
0x12: {  	[sflag:s10] =	ssyncset.done $0x0  }
0x13: {  	s20 =	simm.s32 $0x0;
	[sflag:s10] =	ssyncadd.s32 $0xFFFFFC00  }
0x14: {  	v2 =	vor.u32 s20, v0;
	[bflag:$0x0] =	sbarrier.arrive $0xFFFF  }
0x15: {  	v3 =	vor.u32 s20, v1;
	[tilespmem:s3], [sflag:$0x3] =	stream.linear.gather [hbm4b:s6+s3], $0x10000, $0x38;
	[tilespmem:$0x1E400] =	vst v63  }
0x16: {  	_ =	swait.ge [sflag:s10], $0x10000  }
0x17: {  	s31 =	simm.s32 $0x0;
	[sflag:s10] =	ssyncset.done $0x0  }
0x18: {  	s21 =	sand.u32 $0x60, s3;
	s20 =	sand.u32 $0xFFFFFF80, s31;
	[sflag:s10] =	ssyncadd.s32 $0xFFFF0000  }
0x19: {  	s21 =	sor.u32 s20, s21;
	v2 =	vld.idx.msk [tilespmem:v2+s3+$0x0], $0xffff  }
0x1a: {  	s22 =	sor.u32 $0x10, s21;
	v6 =	vor.u32 s21, v0;
	v4 =	vld.idx.msk [tilespmem:v3+s3+$0x0], $0xffff  }
0x1b: {  	s23 =	simm.s32 $0x80;
	v5 =	vor.u32 s22, v0  }
0x1c: {  	s20 =	simm.s32 $0x1;
	s21 =	simm.s32 $0x0;
	s22 =	simm.s32 $0x2;
	v3 =	vor.u32 s23, v0  }
.LBB2_2:
0x1d: {  	p0 =	sne.s32 s22, $0x1FF;
	v7 =	vor.u32 s23, v1  }
0x1e: {  	v2 =	vand.u32 $0x3FF, v2  }
0x1f: {  	[tilespmem:v6+s11+$0x0] =	vst.idx.msk $0xffff, v2;
	v2 =	vand.u32 $0x3FF, v4  }
0x20: {  	s23 =	sshll.u32 s20, $0x5;
	s21 =	sadd.s32 $0x20, s21;
	s20 =	smov.u32 s22;
	[tilespmem:v5+s11+$0x0] =	vst.idx.msk $0xffff, v2  }
.Ltmp0:
0x21: {  	s24 =	sand.u32 $0x60, s21;
	s23 =	sand.u32 $0xFFFFFF80, s23;
	v2 =	vld.idx.msk [tilespmem:v3+s3+$0x0], $0xffff;
	(pc) =	sbr.rel @p0 .LBB2_2-.Ltmp0, $4  }
0x22: {  	s23 =	sor.u32 s23, s24;
	v4 =	vld.idx.msk [tilespmem:v7+s3+$0x0], $0xffff  }
0x23: {  	v6 =	vor.u32 s23, v0;
	s24 =	sor.u32 $0x10, s23  }
0x24: {  	s23 =	sshll.u32 s22, $0x7;
	v5 =	vor.u32 s24, v0  }
0x25: {  	s22 =	sadd.s32 $0x1, s22;
	v3 =	vor.u32 s23, v0  }
0x26: {  	_ =	sdelay $0x1  }
0x27: {  	v7 =	vor.u32 s23, v1  }
0x28: {  	v2 =	vand.u32 $0x3FF, v2  }
0x29: {  	s20 =	sshll.u32 s20, $0x5;
	s21 =	sadd.s32 $0x20, s21;
	[tilespmem:v6+s11+$0x0] =	vst.idx.msk $0xffff, v2;
	v2 =	vand.u32 $0x3FF, v4  }
0x2a: {  	s21 =	sand.u32 $0x60, s21;
	s20 =	sand.u32 $0xFFFFFF80, s20;
	[tilespmem:v5+s11+$0x0] =	vst.idx.msk $0xffff, v2  }
0x2b: {  	s20 =	sor.u32 s20, s21;
	v2 =	vld.idx.msk [tilespmem:v3+s3+$0x0], $0xffff  }
0x2c: {  	v62 =	vor.u32 s20, v0;
	s20 =	sor.u32 $0x10, s20;
	v3 =	vld.idx.msk [tilespmem:v7+s3+$0x0], $0xffff  }
0x2d: {  	v63 =	vor.u32 s20, v0;
	_ =	sdelay $0x2  }
0x2e: {  	v2 =	vand.u32 $0x3FF, v2  }
0x2f: {  	[tilespmem:v62+s11+$0x0] =	vst.idx.msk $0xffff, v2;
	v2 =	vand.u32 $0x3FF, v3  }
0x30: {  	[tilespmem:v63+s11+$0x0] =	vst.idx.msk $0xffff, v2  }
0x31: {  	[tilespmem:s13], [sflag:$0x1] =	stream.indirect.gather [spmem:s2], $0x80, s11, s12, $0xb8;
	[tilespmem:$0x1E400] =	vst v63  }
0x32: {  	s30 =	simm.s32 $0x10080  }
0x33: {  	[tilespmem:s14], [sflag:$0x2] =	stream.indirect.gather [spmem:s2], $0x80, s30, s12, $0xb8;
	[tilespmem:$0x1E400] =	vst v63  }
0x34: {  	_ =	swait.ge [sflag:s15], $0x4000  }
0x35: {  	[sflag:s15] =	ssyncset.done $0x0  }
0x36: {  	[sflag:s15] =	ssyncadd.s32 $0xFFFFC000  }
0x37: {  	v2 =	vld [tilespmem:$0x14000];
	_ =	sdelay $0x4  }
0x38: {  	s31 =	simm.s32 $0x10100;
	[tilespmem:$0x1C000] =	vst v2  }
0x39: {  	[tilespmem:s13], [sflag:$0x1] =	stream.indirect.gather [spmem:s2], $0x80, s31, s12, $0xb8;
	[tilespmem:$0x1E400] =	vst v63  }
0x3a: {  	_ =	swait.ge [sflag:s16], $0x4000  }
0x3b: {  	[sflag:s16] =	ssyncset.done $0x0  }
0x3c: {  	[sflag:s16] =	ssyncadd.s32 $0xFFFFC000  }
0x3d: {  	v2 =	vld [tilespmem:$0x18000];
	_ =	sdelay $0x2  }
0x3e: {  	s21 =	simm.s32 $0xFFFFC200;
	s20 =	simm.s32 $0xFFFF0C00  }
.LBB2_4:
0x3f: {  	p0 =	sne.s32 s20, $0xFFFFFC00  }
0x40: {  	s22 =	sadd.s32 $0x13F80, s21;
	[tilespmem:$0x1C080] =	vst v2;
	s23 =	smov.u32 s20;
	s20 =	sadd.s32 $0x400, s20  }
0x41: {  	[tilespmem:s14], [sflag:$0x2] =	stream.indirect.gather [spmem:s2], $0x80, s22, s12, $0xb8;
	[tilespmem:$0x1E400] =	vst v63  }
0x42: {  	_ =	swait.ge [sflag:s15], $0x4000  }
0x43: {  	[sflag:s15] =	ssyncset.done $0x0  }
0x44: {  	[sflag:s15] =	ssyncadd.s32 $0xFFFFC000  }
0x45: {  	v2 =	vld [tilespmem:$0x14000];
	_ =	sdelay $0x4  }
0x46: {  	s21 =	sadd.s32 $0x14000, s21;
	[tilespmem:$0x1C000] =	vst v2  }
0x47: {  	[tilespmem:s13], [sflag:$0x1] =	stream.indirect.gather [spmem:s2], $0x80, s21, s12, $0xb8;
	[tilespmem:$0x1E400] =	vst v63  }
0x48: {  	_ =	swait.ge [sflag:s16], $0x4000  }
0x49: {  	[sflag:s16] =	ssyncset.done $0x0  }
0x4a: {  	[sflag:s16] =	ssyncadd.s32 $0xFFFFC000  }
.Ltmp1:
0x4b: {  	v2 =	vld [tilespmem:$0x18000];
	(pc) =	sbr.rel @p0 .LBB2_4-.Ltmp1, $2  }
0x4c: {  	_ =	sdelay $0x2  }
0x4d: {  	s21 =	sshra.s32 s23, $0x2  }
0x4e: {  	s20 =	sadd.s32 $0x13F80, s21;
	[tilespmem:$0x1C080] =	vst v2  }
0x4f: {  	[tilespmem:s14], [sflag:$0x2] =	stream.indirect.gather [spmem:s2], $0x80, s20, s12, $0xb8;
	[tilespmem:$0x1E400] =	vst v63  }
0x50: {  	_ =	swait.ge [sflag:s15], $0x4000  }
0x51: {  	[sflag:s15] =	ssyncset.done $0x0  }
0x52: {  	[sflag:s15] =	ssyncadd.s32 $0xFFFFC000  }
0x53: {  	v2 =	vld [tilespmem:$0x14000];
	_ =	sdelay $0x4  }
0x54: {  	s31 =	sadd.s32 $0x14000, s21;
	[tilespmem:$0x1C000] =	vst v2  }
0x55: {  	[tilespmem:s13], [sflag:$0x1] =	stream.indirect.gather [spmem:s2], $0x80, s31, s12, $0xb8;
	[tilespmem:$0x1E400] =	vst v63  }
0x56: {  	_ =	swait.ge [sflag:s16], $0x4000  }
0x57: {  	[sflag:s16] =	ssyncset.done $0x0  }
0x58: {  	[sflag:s16] =	ssyncadd.s32 $0xFFFFC000  }
0x59: {  	v2 =	vld [tilespmem:$0x18000];
	_ =	sdelay $0x4  }
0x5a: {  	[tilespmem:$0x1C080] =	vst v2  }
0x5b: {  	[tilespmem:s14], [sflag:$0x2] =	stream.indirect.gather [spmem:s2], $0x80, s17, s12, $0xb8;
	[tilespmem:$0x1E400] =	vst v63  }
0x5c: {  	_ =	swait.ge [sflag:s15], $0x4000  }
0x5d: {  	[sflag:s15] =	ssyncset.done $0x0  }
0x5e: {  	[sflag:s15] =	ssyncadd.s32 $0xFFFFC000  }
0x5f: {  	v2 =	vld [tilespmem:$0x14000];
	_ =	sdelay $0x4  }
0x60: {  	[tilespmem:$0x1C000] =	vst v2  }
0x61: {  	_ =	swait.ge [sflag:s16], $0x4000  }
0x62: {  	[sflag:s16] =	ssyncset.done $0x0  }
0x63: {  	[sflag:s16] =	ssyncadd.s32 $0xFFFFC000  }
0x64: {  	v2 =	vld [tilespmem:$0x18000];
	_ =	sdelay $0x2  }
0x65: {  	s19 =	sadd.s32 $0x1, s19  }
0x66: {  	p0 =	sne.s32 s19, s8  }
.Ltmp2:
0x67: {  	[tilespmem:$0x1C080] =	vst v2;
	(pc) =	sbr.rel @p0 .LBB2_1-.Ltmp2, $4  }
0x68: {  	[hbm4b:s7+s3] =	stream.linear.scatter [tilespmem:s18], [sflag:$0x3], $0x400, $0x38;
	[tilespmem:$0x1E400] =	vst v63  }
0x69: {  	_ =	swait.ge [sflag:s10], $0x400  }
0x6a: {  	[sflag:s10] =	ssyncset.done $0x0  }
0x6b: {  	[sflag:s10] =	ssyncadd.s32 $0xFFFFFC00  }
0x6c: {  	_ =	sfence.sel $0x180000  }
0x6d: {  	[bflag:$0x0] =	sbarrier.arrive $0xFFFF  }
0x6e: {  	p0 =	sne.s32 s1, $0x0;
	_ =	strace $0x90000047  }
0x6f: {  	s0 =	sadd.s32 @!p0 $0x100000, s0;
	[bflag:$0x2] =	sbarrier.arrive $0xFFFF  }
0x70: {  	[sflag:s0] =	ssyncadd.tile.s32 @!p0 $0x1;
	_ =	shalt  }
.Lfunc_end2:
_tile_overlayer_lowered:
.L_overlay_start_2:
0x71: {  	(tag) =	ssettag $0x2  }
0x72: {  	s0 =	rddreg [dreg:$0x0];
	s2 =	stileid.u32  }
0x73: {  	s1 =	rddreg [dreg:$0x1];
	p0 =	sne.s32 s2, $0x0  }
0x74: {  	s3 =	rddreg [dreg:$0x2];
	[bflag:$0x3] =	sbarrier.arrive $0xFFFF;
	s2 =	simm.s32 @!p0 $0x1C03  }
0x75: {  	[timem:s3], [sflag:s2] =	dma.local @!p0 [hbm:s0], s1  }
0x76: {  	s0 =	simm.s32 @!p0 $0x3  }
0x77: {  	_ =	swait.ge @!p0 [sflag:s0], s1  }
0x78: {  	s1 =	ssub.s32 @!p0 $0x0, s1;
	[sflag:s0] =	ssyncset.done @!p0 $0x0  }
0x79: {  	[sflag:s0] =	ssyncadd.s32 @!p0 s1  }
0x7a: {  	[bflag:$0x3] =	sbarrier.arrive $0xFFFF  }
0x7b: {  	_ =	shalt  }

</sc_bundles>
